<compile_context>
chip_gen: v7x
topology: tpu7x:2x2x1
jax: 0.10.2.dev20260603
libtpu: 0.0.44.dev20260713+nightly
codegen_flags: <defaults>
</compile_context>

<pallas_src>
import functools

import jax
import jax.numpy as jnp
from jax import lax
from jax.experimental import pallas as pl
from jax.experimental.pallas import tpu as pltpu
from jax.experimental.pallas import tpu_sc as plsc

D_MODEL = 64
NBUF = 5

_info = plsc.get_sparse_core_info()
_NC, _NS = _info.num_cores, _info.num_subcores
_NW = _NC * _NS


@functools.partial(jax.jit, static_argnames=("B", "C"))
def _gather_rows(idx, table_pad, *, B, C):
    b_per_w = B // _NW
    n_chunks = b_per_w // C
    assert n_chunks % NBUF == 0 and n_chunks >= 2 * NBUF
    mesh = plsc.VectorSubcoreMesh(core_axis_name="c", subcore_axis_name="s")

    @functools.partial(
        pl.kernel,
        mesh=mesh,
        out_type=jax.ShapeDtypeStruct((B, 128), jnp.float32),
        scratch_types=[
            pltpu.VMEM((b_per_w,), jnp.int32),
            *([pltpu.VMEM((C, 128), jnp.float32)] * NBUF),
            *([pltpu.SemaphoreType.DMA] * (2 * NBUF)),
        ],
        compiler_params=pltpu.CompilerParams(use_tc_tiling_on_sc=False),
    )
    def k(table_hbm, idx_hbm, out_hbm, idx_v, *bufs_and_sems):
        bufs = bufs_and_sems[:NBUF]
        gsems = bufs_and_sems[NBUF:2 * NBUF]
        osems = bufs_and_sems[2 * NBUF:]
        wid = lax.axis_index("s") * _NC + lax.axis_index("c")
        base = wid * b_per_w
        pltpu.sync_copy(idx_hbm.at[pl.ds(base, b_per_w)], idx_v)

        def gstart(c, b):
            pltpu.make_async_copy(
                table_hbm.at[idx_v.at[pl.ds(c * C, C)]], bufs[b], gsems[b]
            ).start()

        def gwait(c, b):
            pltpu.make_async_copy(
                table_hbm.at[idx_v.at[pl.ds(c * C, C)]], bufs[b], gsems[b]
            ).wait()

        def ostart(c, b):
            pltpu.make_async_copy(
                bufs[b].at[pl.ds(0, C), pl.ds(0, D_MODEL)],
                out_hbm.at[pl.ds(base + c * C, C), pl.ds(0, D_MODEL)],
                osems[b],
            ).start()

        def owait(c, b):
            pltpu.make_async_copy(
                bufs[b].at[pl.ds(0, C), pl.ds(0, D_MODEL)],
                out_hbm.at[pl.ds(base + c * C, C), pl.ds(0, D_MODEL)],
                osems[b],
            ).wait()

        gstart(0, 0)
        gstart(1, 1)

        def body(g, carry):
            t0 = g * NBUF
            for b in range(NBUF):
                c = t0 + b
                nb = (b + 2) % NBUF

                @pl.when(jnp.logical_and(c >= NBUF - 2, c + 2 < n_chunks))
                def _():
                    owait(c - (NBUF - 2), nb)

                @pl.when(c + 2 < n_chunks)
                def _():
                    gstart(c + 2, nb)

                gwait(c, b)
                ostart(c, b)
            return carry

        lax.fori_loop(0, n_chunks // NBUF, body, 0)
        for b in range(NBUF):
            c_last = n_chunks - NBUF + (b - n_chunks % NBUF) % NBUF
            owait(c_last, b)

    return k(table_pad, idx)


def kernel(x, table):
    orig_shape = x.shape
    idx = x.reshape(-1).astype(jnp.int32)
    table_pad = jnp.pad(table, ((0, 0), (0, 128 - D_MODEL)))
    out_pad = _gather_rows(idx, table_pad, B=idx.shape[0], C=128)
    return out_pad[:, :D_MODEL].reshape(*orig_shape, D_MODEL)

# --- scband reference (transcript-rebuilt; emitter-appended) ---
"""Pipeline reference for scband-token-embedding-16853451669907 (READ-ONLY COPY).

The authoritative reference and input builder live on the scoring server;
editing this copy changes nothing except your own understanding.
"""

import jax, jax.numpy as jnp
import numpy as np

VOCAB = 1000000
D_MODEL = 64

def setup_inputs(seed: int = 0) -> dict:
    key = jax.random.key(seed)
    k_idx, k_tab = jax.random.split(key)
    x = jax.random.randint(k_idx, (4096, 200), 0, VOCAB, dtype=jnp.int64)
    table = jax.random.normal(k_tab, (VOCAB, D_MODEL), dtype=jnp.float32)
    return {"x": x, "table": table}

def reference(x, table):
    # nn.Embedding forward: row gather from the embedding table
    return jnp.take(table, x, axis=0)

if __name__ == "__main__":
    import jax
    _d = setup_inputs()
    print(jax.jit(kernel)(*tuple(_d.values())))

</pallas_src>

<mosaic_0001>
#map = affine_map<(d0, d1) -> (0, 0)>
#map1 = affine_map<(d0, d1) -> (0)>
module attributes {stable_mosaic.version = 14 : i64} {
  func.func @k(%arg0: i32, %arg1: i32, %arg2: memref<1000000x128xf32, #tpu.memory_space<hbm>>, %arg3: memref<819200xi32, #tpu.memory_space<hbm>>, %arg4: memref<819200x128xf32, #tpu.memory_space<hbm>>, %arg5: memref<25600xi32, #tpu.memory_space<vmem>>, %arg6: memref<128x128xf32, #tpu.memory_space<vmem>>, %arg7: memref<128x128xf32, #tpu.memory_space<vmem>>, %arg8: memref<128x128xf32, #tpu.memory_space<vmem>>, %arg9: memref<128x128xf32, #tpu.memory_space<vmem>>, %arg10: memref<128x128xf32, #tpu.memory_space<vmem>>, %arg11: memref<!tpu.dma_semaphore, #tpu.memory_space<semaphore_mem>>, %arg12: memref<!tpu.dma_semaphore, #tpu.memory_space<semaphore_mem>>, %arg13: memref<!tpu.dma_semaphore, #tpu.memory_space<semaphore_mem>>, %arg14: memref<!tpu.dma_semaphore, #tpu.memory_space<semaphore_mem>>, %arg15: memref<!tpu.dma_semaphore, #tpu.memory_space<semaphore_mem>>, %arg16: memref<!tpu.dma_semaphore, #tpu.memory_space<semaphore_mem>>, %arg17: memref<!tpu.dma_semaphore, #tpu.memory_space<semaphore_mem>>, %arg18: memref<!tpu.dma_semaphore, #tpu.memory_space<semaphore_mem>>, %arg19: memref<!tpu.dma_semaphore, #tpu.memory_space<semaphore_mem>>, %arg20: memref<!tpu.dma_semaphore, #tpu.memory_space<semaphore_mem>>) attributes {dimension_semantics = [#tpu.dimension_semantics<core_parallel>, #tpu.dimension_semantics<subcore_parallel>], iteration_bounds = array<i64: 2, 16>, scalar_prefetch = 0 : i64, scratch_operands = 16 : i64, tpu.core_type = #tpu.core_type<sc_vector_subcore>, window_params = [{transform_indices = #map}, {transform_indices = #map1}, {transform_indices = #map}]} {
    %mul3A = arith.constant 2 : i32
    %mul3A_0 = arith.muli %arg1, %mul3A : i32
    %add3A = arith.addi %mul3A_0, %arg0 : i32
    %mul3A_1 = arith.constant 25600 : i32
    %mul3A_2 = arith.muli %add3A, %mul3A_1 : i32
    "tpu.region"() ({
      %run_scoped3A = tpu.sem_alloc : memref<!tpu.dma_semaphore, #tpu.memory_space<semaphore_mem>>
      %dma_start3A_76 = tpu.memref_slice %arg3[%mul3A_2] : memref<819200xi32, #tpu.memory_space<hbm>> -> memref<25600xi32, #tpu.memory_space<hbm>>
      %dma_start3A_77 = tpu.memref_slice %arg3[%mul3A_2] : memref<819200xi32, #tpu.memory_space<hbm>> -> memref<25600xi32, #tpu.memory_space<hbm>>
      tpu.enqueue_dma source(%dma_start3A_77 : memref<25600xi32, #tpu.memory_space<hbm>>) target(%arg5 : memref<25600xi32, #tpu.memory_space<vmem>>) target_semaphore(%run_scoped3A : memref<!tpu.dma_semaphore, #tpu.memory_space<semaphore_mem>>)
      %dma_wait3A_78 = tpu.memref_slice %arg3[%mul3A_2] : memref<819200xi32, #tpu.memory_space<hbm>> -> memref<25600xi32, #tpu.memory_space<hbm>>
      %dma_wait3A_79 = tpu.memref_slice %arg3[%mul3A_2] : memref<819200xi32, #tpu.memory_space<hbm>> -> memref<25600xi32, #tpu.memory_space<hbm>>
      tpu.wait_dma2 semaphore(%run_scoped3A : memref<!tpu.dma_semaphore, #tpu.memory_space<semaphore_mem>>) src(%dma_wait3A_79 : memref<25600xi32, #tpu.memory_space<hbm>>) dst(%arg5 : memref<25600xi32, #tpu.memory_space<vmem>>)
      tpu.yield
    }) : () -> ()
    %dma_start3A = arith.constant 0 : i32
    %dma_start3A_3 = tpu.memref_slice %arg5[%dma_start3A] : memref<25600xi32, #tpu.memory_space<vmem>> -> memref<128xi32, #tpu.memory_space<vmem>>
    %dma_start3A_4 = arith.constant 0 : i32
    %dma_start3A_5 = arith.constant 0 : i32
    %dma_start3A_6 = tpu.memref_slice %arg2[%dma_start3A_4, %dma_start3A_5] : memref<1000000x128xf32, #tpu.memory_space<hbm>> -> memref<1000000x128xf32, #tpu.memory_space<hbm>>
    tpu.enqueue_indirect_dma source(%dma_start3A_6 : memref<1000000x128xf32, #tpu.memory_space<hbm>>) target(%arg6 : memref<128x128xf32, #tpu.memory_space<vmem>>) offsets(%dma_start3A_3 : memref<128xi32, #tpu.memory_space<vmem>>) semaphore(%arg11 : memref<!tpu.dma_semaphore, #tpu.memory_space<semaphore_mem>>)
    %dma_start3A_7 = arith.constant 128 : i32
    %dma_start3A_8 = tpu.memref_slice %arg5[%dma_start3A_7] : memref<25600xi32, #tpu.memory_space<vmem>> -> memref<128xi32, #tpu.memory_space<vmem>>
    %dma_start3A_9 = arith.constant 0 : i32
    %dma_start3A_10 = arith.constant 0 : i32
    %dma_start3A_11 = tpu.memref_slice %arg2[%dma_start3A_9, %dma_start3A_10] : memref<1000000x128xf32, #tpu.memory_space<hbm>> -> memref<1000000x128xf32, #tpu.memory_space<hbm>>
    tpu.enqueue_indirect_dma source(%dma_start3A_11 : memref<1000000x128xf32, #tpu.memory_space<hbm>>) target(%arg7 : memref<128x128xf32, #tpu.memory_space<vmem>>) offsets(%dma_start3A_8 : memref<128xi32, #tpu.memory_space<vmem>>) semaphore(%arg12 : memref<!tpu.dma_semaphore, #tpu.memory_space<semaphore_mem>>)
    %scan3A = arith.constant 0 : i32
    %scan3A_12 = arith.constant 0 : i32
    %scan3A_13 = arith.constant 40 : i32
    %scan3A_14 = arith.addi %scan3A_12, %scan3A_13 : i32
    %scan3A_15 = arith.constant 1 : i32
    scf.for %scan3A_76 = %scan3A_12 to %scan3A_14 step %scan3A_15  : i32 {
      %mul3A_77 = arith.constant 5 : i32
      %mul3A_78 = arith.muli %scan3A_76, %mul3A_77 : i32
      %add3A_79 = arith.constant 0 : i32
      %add3A_80 = arith.addi %mul3A_78, %add3A_79 : i32
      %ge3A = arith.constant 3 : i32
      %ge3A_81 = arith.cmpi sge, %add3A_80, %ge3A : i32
      %add3A_82 = arith.constant 2 : i32
      %add3A_83 = arith.addi %add3A_80, %add3A_82 : i32
      %lt3A = arith.constant 200 : i32
      %lt3A_84 = arith.cmpi slt, %add3A_83, %lt3A : i32
      %and3A = arith.andi %ge3A_81, %lt3A_84 : i1
      %convert_element_type3A = arith.extui %and3A : i1 to i32
      %cond3A = arith.constant 0 : i32
      %cond3A_85 = arith.cmpi ne, %convert_element_type3A, %cond3A : i32
      scf.if %cond3A_85 {
        %sub3A = arith.constant 3 : i32
        %sub3A_264 = arith.subi %add3A_80, %sub3A : i32
        %mul3A_265 = arith.constant 128 : i32
        %mul3A_266 = arith.muli %sub3A_264, %mul3A_265 : i32
        %add3A_267 = arith.addi %mul3A_2, %mul3A_266 : i32
        %dma_wait3A_268 = arith.constant 0 : i32
        %dma_wait3A_269 = arith.constant 0 : i32
        %dma_wait3A_270 = tpu.memref_slice %arg8[%dma_wait3A_268, %dma_wait3A_269] : memref<128x128xf32, #tpu.memory_space<vmem>> -> memref<128x64xf32, #tpu.memory_space<vmem>>
        %dma_wait3A_271 = arith.constant 0 : i32
        %dma_wait3A_272 = tpu.memref_slice %arg4[%add3A_267, %dma_wait3A_271] : memref<819200x128xf32, #tpu.memory_space<hbm>> -> memref<128x64xf32, #tpu.memory_space<hbm>>
        %dma_wait3A_273 = arith.constant 0 : i32
        %dma_wait3A_274 = tpu.memref_slice %arg4[%add3A_267, %dma_wait3A_273] : memref<819200x128xf32, #tpu.memory_space<hbm>> -> memref<128x64xf32, #tpu.memory_space<hbm>>
        %dma_wait3A_275 = arith.constant 0 : i32
        %dma_wait3A_276 = arith.constant 0 : i32
        %dma_wait3A_277 = tpu.memref_slice %arg8[%dma_wait3A_275, %dma_wait3A_276] : memref<128x128xf32, #tpu.memory_space<vmem>> -> memref<128x64xf32, #tpu.memory_space<vmem>>
        tpu.wait_dma2 semaphore(%arg18 : memref<!tpu.dma_semaphore, #tpu.memory_space<semaphore_mem>>) src(%dma_wait3A_277 : memref<128x64xf32, #tpu.memory_space<vmem>>) dst(%dma_wait3A_274 : memref<128x64xf32, #tpu.memory_space<hbm>>)
      } else {
      }
      %add3A_86 = arith.constant 2 : i32
      %add3A_87 = arith.addi %add3A_80, %add3A_86 : i32
      %lt3A_88 = arith.constant 200 : i32
      %lt3A_89 = arith.cmpi slt, %add3A_87, %lt3A_88 : i32
      %convert_element_type3A_90 = arith.extui %lt3A_89 : i1 to i32
      %cond3A_91 = arith.constant 0 : i32
      %cond3A_92 = arith.cmpi ne, %convert_element_type3A_90, %cond3A_91 : i32
      scf.if %cond3A_92 {
        %add3A_264 = arith.constant 2 : i32
        %add3A_265 = arith.addi %add3A_80, %add3A_264 : i32
        %mul3A_266 = arith.constant 128 : i32
        %mul3A_267 = arith.muli %add3A_265, %mul3A_266 : i32
        %dma_start3A_268 = tpu.memref_slice %arg5[%mul3A_267] : memref<25600xi32, #tpu.memory_space<vmem>> -> memref<128xi32, #tpu.memory_space<vmem>>
        %dma_start3A_269 = arith.constant 0 : i32
        %dma_start3A_270 = arith.constant 0 : i32
        %dma_start3A_271 = tpu.memref_slice %arg2[%dma_start3A_269, %dma_start3A_270] : memref<1000000x128xf32, #tpu.memory_space<hbm>> -> memref<1000000x128xf32, #tpu.memory_space<hbm>>
        tpu.enqueue_indirect_dma source(%dma_start3A_271 : memref<1000000x128xf32, #tpu.memory_space<hbm>>) target(%arg8 : memref<128x128xf32, #tpu.memory_space<vmem>>) offsets(%dma_start3A_268 : memref<128xi32, #tpu.memory_space<vmem>>) semaphore(%arg13 : memref<!tpu.dma_semaphore, #tpu.memory_space<semaphore_mem>>)
      } else {
      }
      %mul3A_93 = arith.constant 128 : i32
      %mul3A_94 = arith.muli %add3A_80, %mul3A_93 : i32
      %dma_wait3A_95 = tpu.memref_slice %arg5[%mul3A_94] : memref<25600xi32, #tpu.memory_space<vmem>> -> memref<128xi32, #tpu.memory_space<vmem>>
      %dma_wait3A_96 = arith.constant 0 : i32
      %dma_wait3A_97 = arith.constant 0 : i32
      %dma_wait3A_98 = tpu.memref_slice %arg2[%dma_wait3A_96, %dma_wait3A_97] : memref<1000000x128xf32, #tpu.memory_space<hbm>> -> memref<1000000x128xf32, #tpu.memory_space<hbm>>
      tpu.wait_indirect_dma semaphore(%arg11 : memref<!tpu.dma_semaphore, #tpu.memory_space<semaphore_mem>>) src(%dma_wait3A_98 : memref<1000000x128xf32, #tpu.memory_space<hbm>>) dst(%arg6 : memref<128x128xf32, #tpu.memory_space<vmem>>)
      %mul3A_99 = arith.constant 128 : i32
      %mul3A_100 = arith.muli %add3A_80, %mul3A_99 : i32
      %add3A_101 = arith.addi %mul3A_2, %mul3A_100 : i32
      %dma_start3A_102 = arith.constant 0 : i32
      %dma_start3A_103 = arith.constant 0 : i32
      %dma_start3A_104 = tpu.memref_slice %arg6[%dma_start3A_102, %dma_start3A_103] : memref<128x128xf32, #tpu.memory_space<vmem>> -> memref<128x64xf32, #tpu.memory_space<vmem>>
      %dma_start3A_105 = arith.constant 0 : i32
      %dma_start3A_106 = tpu.memref_slice %arg4[%add3A_101, %dma_start3A_105] : memref<819200x128xf32, #tpu.memory_space<hbm>> -> memref<128x64xf32, #tpu.memory_space<hbm>>
      %dma_start3A_107 = arith.constant 0 : i32
      %dma_start3A_108 = tpu.memref_slice %arg4[%add3A_101, %dma_start3A_107] : memref<819200x128xf32, #tpu.memory_space<hbm>> -> memref<128x64xf32, #tpu.memory_space<hbm>>
      %dma_start3A_109 = arith.constant 0 : i32
      %dma_start3A_110 = arith.constant 0 : i32
      %dma_start3A_111 = tpu.memref_slice %arg6[%dma_start3A_109, %dma_start3A_110] : memref<128x128xf32, #tpu.memory_space<vmem>> -> memref<128x64xf32, #tpu.memory_space<vmem>>
      tpu.enqueue_dma source(%dma_start3A_111 : memref<128x64xf32, #tpu.memory_space<vmem>>) target(%dma_start3A_108 : memref<128x64xf32, #tpu.memory_space<hbm>>) target_semaphore(%arg16 : memref<!tpu.dma_semaphore, #tpu.memory_space<semaphore_mem>>)
      %add3A_112 = arith.constant 1 : i32
      %add3A_113 = arith.addi %mul3A_78, %add3A_112 : i32
      %ge3A_114 = arith.constant 3 : i32
      %ge3A_115 = arith.cmpi sge, %add3A_113, %ge3A_114 : i32
      %add3A_116 = arith.constant 2 : i32
      %add3A_117 = arith.addi %add3A_113, %add3A_116 : i32
      %lt3A_118 = arith.constant 200 : i32
      %lt3A_119 = arith.cmpi slt, %add3A_117, %lt3A_118 : i32
      %and3A_120 = arith.andi %ge3A_115, %lt3A_119 : i1
      %convert_element_type3A_121 = arith.extui %and3A_120 : i1 to i32
      %cond3A_122 = arith.constant 0 : i32
      %cond3A_123 = arith.cmpi ne, %convert_element_type3A_121, %cond3A_122 : i32
      scf.if %cond3A_123 {
        %sub3A = arith.constant 3 : i32
        %sub3A_264 = arith.subi %add3A_113, %sub3A : i32
        %mul3A_265 = arith.constant 128 : i32
        %mul3A_266 = arith.muli %sub3A_264, %mul3A_265 : i32
        %add3A_267 = arith.addi %mul3A_2, %mul3A_266 : i32
        %dma_wait3A_268 = arith.constant 0 : i32
        %dma_wait3A_269 = arith.constant 0 : i32
        %dma_wait3A_270 = tpu.memref_slice %arg9[%dma_wait3A_268, %dma_wait3A_269] : memref<128x128xf32, #tpu.memory_space<vmem>> -> memref<128x64xf32, #tpu.memory_space<vmem>>
        %dma_wait3A_271 = arith.constant 0 : i32
        %dma_wait3A_272 = tpu.memref_slice %arg4[%add3A_267, %dma_wait3A_271] : memref<819200x128xf32, #tpu.memory_space<hbm>> -> memref<128x64xf32, #tpu.memory_space<hbm>>
        %dma_wait3A_273 = arith.constant 0 : i32
        %dma_wait3A_274 = tpu.memref_slice %arg4[%add3A_267, %dma_wait3A_273] : memref<819200x128xf32, #tpu.memory_space<hbm>> -> memref<128x64xf32, #tpu.memory_space<hbm>>
        %dma_wait3A_275 = arith.constant 0 : i32
        %dma_wait3A_276 = arith.constant 0 : i32
        %dma_wait3A_277 = tpu.memref_slice %arg9[%dma_wait3A_275, %dma_wait3A_276] : memref<128x128xf32, #tpu.memory_space<vmem>> -> memref<128x64xf32, #tpu.memory_space<vmem>>
        tpu.wait_dma2 semaphore(%arg19 : memref<!tpu.dma_semaphore, #tpu.memory_space<semaphore_mem>>) src(%dma_wait3A_277 : memref<128x64xf32, #tpu.memory_space<vmem>>) dst(%dma_wait3A_274 : memref<128x64xf32, #tpu.memory_space<hbm>>)
      } else {
      }
      %add3A_124 = arith.constant 2 : i32
      %add3A_125 = arith.addi %add3A_113, %add3A_124 : i32
      %lt3A_126 = arith.constant 200 : i32
      %lt3A_127 = arith.cmpi slt, %add3A_125, %lt3A_126 : i32
      %convert_element_type3A_128 = arith.extui %lt3A_127 : i1 to i32
      %cond3A_129 = arith.constant 0 : i32
      %cond3A_130 = arith.cmpi ne, %convert_element_type3A_128, %cond3A_129 : i32
      scf.if %cond3A_130 {
        %add3A_264 = arith.constant 2 : i32
        %add3A_265 = arith.addi %add3A_113, %add3A_264 : i32
        %mul3A_266 = arith.constant 128 : i32
        %mul3A_267 = arith.muli %add3A_265, %mul3A_266 : i32
        %dma_start3A_268 = tpu.memref_slice %arg5[%mul3A_267] : memref<25600xi32, #tpu.memory_space<vmem>> -> memref<128xi32, #tpu.memory_space<vmem>>
        %dma_start3A_269 = arith.constant 0 : i32
        %dma_start3A_270 = arith.constant 0 : i32
        %dma_start3A_271 = tpu.memref_slice %arg2[%dma_start3A_269, %dma_start3A_270] : memref<1000000x128xf32, #tpu.memory_space<hbm>> -> memref<1000000x128xf32, #tpu.memory_space<hbm>>
        tpu.enqueue_indirect_dma source(%dma_start3A_271 : memref<1000000x128xf32, #tpu.memory_space<hbm>>) target(%arg9 : memref<128x128xf32, #tpu.memory_space<vmem>>) offsets(%dma_start3A_268 : memref<128xi32, #tpu.memory_space<vmem>>) semaphore(%arg14 : memref<!tpu.dma_semaphore, #tpu.memory_space<semaphore_mem>>)
      } else {
      }
      %mul3A_131 = arith.constant 128 : i32
      %mul3A_132 = arith.muli %add3A_113, %mul3A_131 : i32
      %dma_wait3A_133 = tpu.memref_slice %arg5[%mul3A_132] : memref<25600xi32, #tpu.memory_space<vmem>> -> memref<128xi32, #tpu.memory_space<vmem>>
      %dma_wait3A_134 = arith.constant 0 : i32
      %dma_wait3A_135 = arith.constant 0 : i32
      %dma_wait3A_136 = tpu.memref_slice %arg2[%dma_wait3A_134, %dma_wait3A_135] : memref<1000000x128xf32, #tpu.memory_space<hbm>> -> memref<1000000x128xf32, #tpu.memory_space<hbm>>
      tpu.wait_indirect_dma semaphore(%arg12 : memref<!tpu.dma_semaphore, #tpu.memory_space<semaphore_mem>>) src(%dma_wait3A_136 : memref<1000000x128xf32, #tpu.memory_space<hbm>>) dst(%arg7 : memref<128x128xf32, #tpu.memory_space<vmem>>)
      %mul3A_137 = arith.constant 128 : i32
      %mul3A_138 = arith.muli %add3A_113, %mul3A_137 : i32
      %add3A_139 = arith.addi %mul3A_2, %mul3A_138 : i32
      %dma_start3A_140 = arith.constant 0 : i32
      %dma_start3A_141 = arith.constant 0 : i32
      %dma_start3A_142 = tpu.memref_slice %arg7[%dma_start3A_140, %dma_start3A_141] : memref<128x128xf32, #tpu.memory_space<vmem>> -> memref<128x64xf32, #tpu.memory_space<vmem>>
      %dma_start3A_143 = arith.constant 0 : i32
      %dma_start3A_144 = tpu.memref_slice %arg4[%add3A_139, %dma_start3A_143] : memref<819200x128xf32, #tpu.memory_space<hbm>> -> memref<128x64xf32, #tpu.memory_space<hbm>>
      %dma_start3A_145 = arith.constant 0 : i32
      %dma_start3A_146 = tpu.memref_slice %arg4[%add3A_139, %dma_start3A_145] : memref<819200x128xf32, #tpu.memory_space<hbm>> -> memref<128x64xf32, #tpu.memory_space<hbm>>
      %dma_start3A_147 = arith.constant 0 : i32
      %dma_start3A_148 = arith.constant 0 : i32
      %dma_start3A_149 = tpu.memref_slice %arg7[%dma_start3A_147, %dma_start3A_148] : memref<128x128xf32, #tpu.memory_space<vmem>> -> memref<128x64xf32, #tpu.memory_space<vmem>>
      tpu.enqueue_dma source(%dma_start3A_149 : memref<128x64xf32, #tpu.memory_space<vmem>>) target(%dma_start3A_146 : memref<128x64xf32, #tpu.memory_space<hbm>>) target_semaphore(%arg17 : memref<!tpu.dma_semaphore, #tpu.memory_space<semaphore_mem>>)
      %add3A_150 = arith.constant 2 : i32
      %add3A_151 = arith.addi %mul3A_78, %add3A_150 : i32
      %ge3A_152 = arith.constant 3 : i32
      %ge3A_153 = arith.cmpi sge, %add3A_151, %ge3A_152 : i32
      %add3A_154 = arith.constant 2 : i32
      %add3A_155 = arith.addi %add3A_151, %add3A_154 : i32
      %lt3A_156 = arith.constant 200 : i32
      %lt3A_157 = arith.cmpi slt, %add3A_155, %lt3A_156 : i32
      %and3A_158 = arith.andi %ge3A_153, %lt3A_157 : i1
      %convert_element_type3A_159 = arith.extui %and3A_158 : i1 to i32
      %cond3A_160 = arith.constant 0 : i32
      %cond3A_161 = arith.cmpi ne, %convert_element_type3A_159, %cond3A_160 : i32
      scf.if %cond3A_161 {
        %sub3A = arith.constant 3 : i32
        %sub3A_264 = arith.subi %add3A_151, %sub3A : i32
        %mul3A_265 = arith.constant 128 : i32
        %mul3A_266 = arith.muli %sub3A_264, %mul3A_265 : i32
        %add3A_267 = arith.addi %mul3A_2, %mul3A_266 : i32
        %dma_wait3A_268 = arith.constant 0 : i32
        %dma_wait3A_269 = arith.constant 0 : i32
        %dma_wait3A_270 = tpu.memref_slice %arg10[%dma_wait3A_268, %dma_wait3A_269] : memref<128x128xf32, #tpu.memory_space<vmem>> -> memref<128x64xf32, #tpu.memory_space<vmem>>
        %dma_wait3A_271 = arith.constant 0 : i32
        %dma_wait3A_272 = tpu.memref_slice %arg4[%add3A_267, %dma_wait3A_271] : memref<819200x128xf32, #tpu.memory_space<hbm>> -> memref<128x64xf32, #tpu.memory_space<hbm>>
        %dma_wait3A_273 = arith.constant 0 : i32
        %dma_wait3A_274 = tpu.memref_slice %arg4[%add3A_267, %dma_wait3A_273] : memref<819200x128xf32, #tpu.memory_space<hbm>> -> memref<128x64xf32, #tpu.memory_space<hbm>>
        %dma_wait3A_275 = arith.constant 0 : i32
        %dma_wait3A_276 = arith.constant 0 : i32
        %dma_wait3A_277 = tpu.memref_slice %arg10[%dma_wait3A_275, %dma_wait3A_276] : memref<128x128xf32, #tpu.memory_space<vmem>> -> memref<128x64xf32, #tpu.memory_space<vmem>>
        tpu.wait_dma2 semaphore(%arg20 : memref<!tpu.dma_semaphore, #tpu.memory_space<semaphore_mem>>) src(%dma_wait3A_277 : memref<128x64xf32, #tpu.memory_space<vmem>>) dst(%dma_wait3A_274 : memref<128x64xf32, #tpu.memory_space<hbm>>)
      } else {
      }
      %add3A_162 = arith.constant 2 : i32
      %add3A_163 = arith.addi %add3A_151, %add3A_162 : i32
      %lt3A_164 = arith.constant 200 : i32
      %lt3A_165 = arith.cmpi slt, %add3A_163, %lt3A_164 : i32
      %convert_element_type3A_166 = arith.extui %lt3A_165 : i1 to i32
      %cond3A_167 = arith.constant 0 : i32
      %cond3A_168 = arith.cmpi ne, %convert_element_type3A_166, %cond3A_167 : i32
      scf.if %cond3A_168 {
        %add3A_264 = arith.constant 2 : i32
        %add3A_265 = arith.addi %add3A_151, %add3A_264 : i32
        %mul3A_266 = arith.constant 128 : i32
        %mul3A_267 = arith.muli %add3A_265, %mul3A_266 : i32
        %dma_start3A_268 = tpu.memref_slice %arg5[%mul3A_267] : memref<25600xi32, #tpu.memory_space<vmem>> -> memref<128xi32, #tpu.memory_space<vmem>>
        %dma_start3A_269 = arith.constant 0 : i32
        %dma_start3A_270 = arith.constant 0 : i32
        %dma_start3A_271 = tpu.memref_slice %arg2[%dma_start3A_269, %dma_start3A_270] : memref<1000000x128xf32, #tpu.memory_space<hbm>> -> memref<1000000x128xf32, #tpu.memory_space<hbm>>
        tpu.enqueue_indirect_dma source(%dma_start3A_271 : memref<1000000x128xf32, #tpu.memory_space<hbm>>) target(%arg10 : memref<128x128xf32, #tpu.memory_space<vmem>>) offsets(%dma_start3A_268 : memref<128xi32, #tpu.memory_space<vmem>>) semaphore(%arg15 : memref<!tpu.dma_semaphore, #tpu.memory_space<semaphore_mem>>)
      } else {
      }
      %mul3A_169 = arith.constant 128 : i32
      %mul3A_170 = arith.muli %add3A_151, %mul3A_169 : i32
      %dma_wait3A_171 = tpu.memref_slice %arg5[%mul3A_170] : memref<25600xi32, #tpu.memory_space<vmem>> -> memref<128xi32, #tpu.memory_space<vmem>>
      %dma_wait3A_172 = arith.constant 0 : i32
      %dma_wait3A_173 = arith.constant 0 : i32
      %dma_wait3A_174 = tpu.memref_slice %arg2[%dma_wait3A_172, %dma_wait3A_173] : memref<1000000x128xf32, #tpu.memory_space<hbm>> -> memref<1000000x128xf32, #tpu.memory_space<hbm>>
      tpu.wait_indirect_dma semaphore(%arg13 : memref<!tpu.dma_semaphore, #tpu.memory_space<semaphore_mem>>) src(%dma_wait3A_174 : memref<1000000x128xf32, #tpu.memory_space<hbm>>) dst(%arg8 : memref<128x128xf32, #tpu.memory_space<vmem>>)
      %mul3A_175 = arith.constant 128 : i32
      %mul3A_176 = arith.muli %add3A_151, %mul3A_175 : i32
      %add3A_177 = arith.addi %mul3A_2, %mul3A_176 : i32
      %dma_start3A_178 = arith.constant 0 : i32
      %dma_start3A_179 = arith.constant 0 : i32
      %dma_start3A_180 = tpu.memref_slice %arg8[%dma_start3A_178, %dma_start3A_179] : memref<128x128xf32, #tpu.memory_space<vmem>> -> memref<128x64xf32, #tpu.memory_space<vmem>>
      %dma_start3A_181 = arith.constant 0 : i32
      %dma_start3A_182 = tpu.memref_slice %arg4[%add3A_177, %dma_start3A_181] : memref<819200x128xf32, #tpu.memory_space<hbm>> -> memref<128x64xf32, #tpu.memory_space<hbm>>
      %dma_start3A_183 = arith.constant 0 : i32
      %dma_start3A_184 = tpu.memref_slice %arg4[%add3A_177, %dma_start3A_183] : memref<819200x128xf32, #tpu.memory_space<hbm>> -> memref<128x64xf32, #tpu.memory_space<hbm>>
      %dma_start3A_185 = arith.constant 0 : i32
      %dma_start3A_186 = arith.constant 0 : i32
      %dma_start3A_187 = tpu.memref_slice %arg8[%dma_start3A_185, %dma_start3A_186] : memref<128x128xf32, #tpu.memory_space<vmem>> -> memref<128x64xf32, #tpu.memory_space<vmem>>
      tpu.enqueue_dma source(%dma_start3A_187 : memref<128x64xf32, #tpu.memory_space<vmem>>) target(%dma_start3A_184 : memref<128x64xf32, #tpu.memory_space<hbm>>) target_semaphore(%arg18 : memref<!tpu.dma_semaphore, #tpu.memory_space<semaphore_mem>>)
      %add3A_188 = arith.constant 3 : i32
      %add3A_189 = arith.addi %mul3A_78, %add3A_188 : i32
      %ge3A_190 = arith.constant 3 : i32
      %ge3A_191 = arith.cmpi sge, %add3A_189, %ge3A_190 : i32
      %add3A_192 = arith.constant 2 : i32
      %add3A_193 = arith.addi %add3A_189, %add3A_192 : i32
      %lt3A_194 = arith.constant 200 : i32
      %lt3A_195 = arith.cmpi slt, %add3A_193, %lt3A_194 : i32
      %and3A_196 = arith.andi %ge3A_191, %lt3A_195 : i1
      %convert_element_type3A_197 = arith.extui %and3A_196 : i1 to i32
      %cond3A_198 = arith.constant 0 : i32
      %cond3A_199 = arith.cmpi ne, %convert_element_type3A_197, %cond3A_198 : i32
      scf.if %cond3A_199 {
        %sub3A = arith.constant 3 : i32
        %sub3A_264 = arith.subi %add3A_189, %sub3A : i32
        %mul3A_265 = arith.constant 128 : i32
        %mul3A_266 = arith.muli %sub3A_264, %mul3A_265 : i32
        %add3A_267 = arith.addi %mul3A_2, %mul3A_266 : i32
        %dma_wait3A_268 = arith.constant 0 : i32
        %dma_wait3A_269 = arith.constant 0 : i32
        %dma_wait3A_270 = tpu.memref_slice %arg6[%dma_wait3A_268, %dma_wait3A_269] : memref<128x128xf32, #tpu.memory_space<vmem>> -> memref<128x64xf32, #tpu.memory_space<vmem>>
        %dma_wait3A_271 = arith.constant 0 : i32
        %dma_wait3A_272 = tpu.memref_slice %arg4[%add3A_267, %dma_wait3A_271] : memref<819200x128xf32, #tpu.memory_space<hbm>> -> memref<128x64xf32, #tpu.memory_space<hbm>>
        %dma_wait3A_273 = arith.constant 0 : i32
        %dma_wait3A_274 = tpu.memref_slice %arg4[%add3A_267, %dma_wait3A_273] : memref<819200x128xf32, #tpu.memory_space<hbm>> -> memref<128x64xf32, #tpu.memory_space<hbm>>
        %dma_wait3A_275 = arith.constant 0 : i32
        %dma_wait3A_276 = arith.constant 0 : i32
        %dma_wait3A_277 = tpu.memref_slice %arg6[%dma_wait3A_275, %dma_wait3A_276] : memref<128x128xf32, #tpu.memory_space<vmem>> -> memref<128x64xf32, #tpu.memory_space<vmem>>
        tpu.wait_dma2 semaphore(%arg16 : memref<!tpu.dma_semaphore, #tpu.memory_space<semaphore_mem>>) src(%dma_wait3A_277 : memref<128x64xf32, #tpu.memory_space<vmem>>) dst(%dma_wait3A_274 : memref<128x64xf32, #tpu.memory_space<hbm>>)
      } else {
      }
      %add3A_200 = arith.constant 2 : i32
      %add3A_201 = arith.addi %add3A_189, %add3A_200 : i32
      %lt3A_202 = arith.constant 200 : i32
      %lt3A_203 = arith.cmpi slt, %add3A_201, %lt3A_202 : i32
      %convert_element_type3A_204 = arith.extui %lt3A_203 : i1 to i32
      %cond3A_205 = arith.constant 0 : i32
      %cond3A_206 = arith.cmpi ne, %convert_element_type3A_204, %cond3A_205 : i32
      scf.if %cond3A_206 {
        %add3A_264 = arith.constant 2 : i32
        %add3A_265 = arith.addi %add3A_189, %add3A_264 : i32
        %mul3A_266 = arith.constant 128 : i32
        %mul3A_267 = arith.muli %add3A_265, %mul3A_266 : i32
        %dma_start3A_268 = tpu.memref_slice %arg5[%mul3A_267] : memref<25600xi32, #tpu.memory_space<vmem>> -> memref<128xi32, #tpu.memory_space<vmem>>
        %dma_start3A_269 = arith.constant 0 : i32
        %dma_start3A_270 = arith.constant 0 : i32
        %dma_start3A_271 = tpu.memref_slice %arg2[%dma_start3A_269, %dma_start3A_270] : memref<1000000x128xf32, #tpu.memory_space<hbm>> -> memref<1000000x128xf32, #tpu.memory_space<hbm>>
        tpu.enqueue_indirect_dma source(%dma_start3A_271 : memref<1000000x128xf32, #tpu.memory_space<hbm>>) target(%arg6 : memref<128x128xf32, #tpu.memory_space<vmem>>) offsets(%dma_start3A_268 : memref<128xi32, #tpu.memory_space<vmem>>) semaphore(%arg11 : memref<!tpu.dma_semaphore, #tpu.memory_space<semaphore_mem>>)
      } else {
      }
      %mul3A_207 = arith.constant 128 : i32
      %mul3A_208 = arith.muli %add3A_189, %mul3A_207 : i32
      %dma_wait3A_209 = tpu.memref_slice %arg5[%mul3A_208] : memref<25600xi32, #tpu.memory_space<vmem>> -> memref<128xi32, #tpu.memory_space<vmem>>
      %dma_wait3A_210 = arith.constant 0 : i32
      %dma_wait3A_211 = arith.constant 0 : i32
      %dma_wait3A_212 = tpu.memref_slice %arg2[%dma_wait3A_210, %dma_wait3A_211] : memref<1000000x128xf32, #tpu.memory_space<hbm>> -> memref<1000000x128xf32, #tpu.memory_space<hbm>>
      tpu.wait_indirect_dma semaphore(%arg14 : memref<!tpu.dma_semaphore, #tpu.memory_space<semaphore_mem>>) src(%dma_wait3A_212 : memref<1000000x128xf32, #tpu.memory_space<hbm>>) dst(%arg9 : memref<128x128xf32, #tpu.memory_space<vmem>>)
      %mul3A_213 = arith.constant 128 : i32
      %mul3A_214 = arith.muli %add3A_189, %mul3A_213 : i32
      %add3A_215 = arith.addi %mul3A_2, %mul3A_214 : i32
      %dma_start3A_216 = arith.constant 0 : i32
      %dma_start3A_217 = arith.constant 0 : i32
      %dma_start3A_218 = tpu.memref_slice %arg9[%dma_start3A_216, %dma_start3A_217] : memref<128x128xf32, #tpu.memory_space<vmem>> -> memref<128x64xf32, #tpu.memory_space<vmem>>
      %dma_start3A_219 = arith.constant 0 : i32
      %dma_start3A_220 = tpu.memref_slice %arg4[%add3A_215, %dma_start3A_219] : memref<819200x128xf32, #tpu.memory_space<hbm>> -> memref<128x64xf32, #tpu.memory_space<hbm>>
      %dma_start3A_221 = arith.constant 0 : i32
      %dma_start3A_222 = tpu.memref_slice %arg4[%add3A_215, %dma_start3A_221] : memref<819200x128xf32, #tpu.memory_space<hbm>> -> memref<128x64xf32, #tpu.memory_space<hbm>>
      %dma_start3A_223 = arith.constant 0 : i32
      %dma_start3A_224 = arith.constant 0 : i32
      %dma_start3A_225 = tpu.memref_slice %arg9[%dma_start3A_223, %dma_start3A_224] : memref<128x128xf32, #tpu.memory_space<vmem>> -> memref<128x64xf32, #tpu.memory_space<vmem>>
      tpu.enqueue_dma source(%dma_start3A_225 : memref<128x64xf32, #tpu.memory_space<vmem>>) target(%dma_start3A_222 : memref<128x64xf32, #tpu.memory_space<hbm>>) target_semaphore(%arg19 : memref<!tpu.dma_semaphore, #tpu.memory_space<semaphore_mem>>)
      %add3A_226 = arith.constant 4 : i32
      %add3A_227 = arith.addi %mul3A_78, %add3A_226 : i32
      %ge3A_228 = arith.constant 3 : i32
      %ge3A_229 = arith.cmpi sge, %add3A_227, %ge3A_228 : i32
      %add3A_230 = arith.constant 2 : i32
      %add3A_231 = arith.addi %add3A_227, %add3A_230 : i32
      %lt3A_232 = arith.constant 200 : i32
      %lt3A_233 = arith.cmpi slt, %add3A_231, %lt3A_232 : i32
      %and3A_234 = arith.andi %ge3A_229, %lt3A_233 : i1
      %convert_element_type3A_235 = arith.extui %and3A_234 : i1 to i32
      %cond3A_236 = arith.constant 0 : i32
      %cond3A_237 = arith.cmpi ne, %convert_element_type3A_235, %cond3A_236 : i32
      scf.if %cond3A_237 {
        %sub3A = arith.constant 3 : i32
        %sub3A_264 = arith.subi %add3A_227, %sub3A : i32
        %mul3A_265 = arith.constant 128 : i32
        %mul3A_266 = arith.muli %sub3A_264, %mul3A_265 : i32
        %add3A_267 = arith.addi %mul3A_2, %mul3A_266 : i32
        %dma_wait3A_268 = arith.constant 0 : i32
        %dma_wait3A_269 = arith.constant 0 : i32
        %dma_wait3A_270 = tpu.memref_slice %arg7[%dma_wait3A_268, %dma_wait3A_269] : memref<128x128xf32, #tpu.memory_space<vmem>> -> memref<128x64xf32, #tpu.memory_space<vmem>>
        %dma_wait3A_271 = arith.constant 0 : i32
        %dma_wait3A_272 = tpu.memref_slice %arg4[%add3A_267, %dma_wait3A_271] : memref<819200x128xf32, #tpu.memory_space<hbm>> -> memref<128x64xf32, #tpu.memory_space<hbm>>
        %dma_wait3A_273 = arith.constant 0 : i32
        %dma_wait3A_274 = tpu.memref_slice %arg4[%add3A_267, %dma_wait3A_273] : memref<819200x128xf32, #tpu.memory_space<hbm>> -> memref<128x64xf32, #tpu.memory_space<hbm>>
        %dma_wait3A_275 = arith.constant 0 : i32
        %dma_wait3A_276 = arith.constant 0 : i32
        %dma_wait3A_277 = tpu.memref_slice %arg7[%dma_wait3A_275, %dma_wait3A_276] : memref<128x128xf32, #tpu.memory_space<vmem>> -> memref<128x64xf32, #tpu.memory_space<vmem>>
        tpu.wait_dma2 semaphore(%arg17 : memref<!tpu.dma_semaphore, #tpu.memory_space<semaphore_mem>>) src(%dma_wait3A_277 : memref<128x64xf32, #tpu.memory_space<vmem>>) dst(%dma_wait3A_274 : memref<128x64xf32, #tpu.memory_space<hbm>>)
      } else {
      }
      %add3A_238 = arith.constant 2 : i32
      %add3A_239 = arith.addi %add3A_227, %add3A_238 : i32
      %lt3A_240 = arith.constant 200 : i32
      %lt3A_241 = arith.cmpi slt, %add3A_239, %lt3A_240 : i32
      %convert_element_type3A_242 = arith.extui %lt3A_241 : i1 to i32
      %cond3A_243 = arith.constant 0 : i32
      %cond3A_244 = arith.cmpi ne, %convert_element_type3A_242, %cond3A_243 : i32
      scf.if %cond3A_244 {
        %add3A_264 = arith.constant 2 : i32
        %add3A_265 = arith.addi %add3A_227, %add3A_264 : i32
        %mul3A_266 = arith.constant 128 : i32
        %mul3A_267 = arith.muli %add3A_265, %mul3A_266 : i32
        %dma_start3A_268 = tpu.memref_slice %arg5[%mul3A_267] : memref<25600xi32, #tpu.memory_space<vmem>> -> memref<128xi32, #tpu.memory_space<vmem>>
        %dma_start3A_269 = arith.constant 0 : i32
        %dma_start3A_270 = arith.constant 0 : i32
        %dma_start3A_271 = tpu.memref_slice %arg2[%dma_start3A_269, %dma_start3A_270] : memref<1000000x128xf32, #tpu.memory_space<hbm>> -> memref<1000000x128xf32, #tpu.memory_space<hbm>>
        tpu.enqueue_indirect_dma source(%dma_start3A_271 : memref<1000000x128xf32, #tpu.memory_space<hbm>>) target(%arg7 : memref<128x128xf32, #tpu.memory_space<vmem>>) offsets(%dma_start3A_268 : memref<128xi32, #tpu.memory_space<vmem>>) semaphore(%arg12 : memref<!tpu.dma_semaphore, #tpu.memory_space<semaphore_mem>>)
      } else {
      }
      %mul3A_245 = arith.constant 128 : i32
      %mul3A_246 = arith.muli %add3A_227, %mul3A_245 : i32
      %dma_wait3A_247 = tpu.memref_slice %arg5[%mul3A_246] : memref<25600xi32, #tpu.memory_space<vmem>> -> memref<128xi32, #tpu.memory_space<vmem>>
      %dma_wait3A_248 = arith.constant 0 : i32
      %dma_wait3A_249 = arith.constant 0 : i32
      %dma_wait3A_250 = tpu.memref_slice %arg2[%dma_wait3A_248, %dma_wait3A_249] : memref<1000000x128xf32, #tpu.memory_space<hbm>> -> memref<1000000x128xf32, #tpu.memory_space<hbm>>
      tpu.wait_indirect_dma semaphore(%arg15 : memref<!tpu.dma_semaphore, #tpu.memory_space<semaphore_mem>>) src(%dma_wait3A_250 : memref<1000000x128xf32, #tpu.memory_space<hbm>>) dst(%arg10 : memref<128x128xf32, #tpu.memory_space<vmem>>)
      %mul3A_251 = arith.constant 128 : i32
      %mul3A_252 = arith.muli %add3A_227, %mul3A_251 : i32
      %add3A_253 = arith.addi %mul3A_2, %mul3A_252 : i32
      %dma_start3A_254 = arith.constant 0 : i32
      %dma_start3A_255 = arith.constant 0 : i32
      %dma_start3A_256 = tpu.memref_slice %arg10[%dma_start3A_254, %dma_start3A_255] : memref<128x128xf32, #tpu.memory_space<vmem>> -> memref<128x64xf32, #tpu.memory_space<vmem>>
      %dma_start3A_257 = arith.constant 0 : i32
      %dma_start3A_258 = tpu.memref_slice %arg4[%add3A_253, %dma_start3A_257] : memref<819200x128xf32, #tpu.memory_space<hbm>> -> memref<128x64xf32, #tpu.memory_space<hbm>>
      %dma_start3A_259 = arith.constant 0 : i32
      %dma_start3A_260 = tpu.memref_slice %arg4[%add3A_253, %dma_start3A_259] : memref<819200x128xf32, #tpu.memory_space<hbm>> -> memref<128x64xf32, #tpu.memory_space<hbm>>
      %dma_start3A_261 = arith.constant 0 : i32
      %dma_start3A_262 = arith.constant 0 : i32
      %dma_start3A_263 = tpu.memref_slice %arg10[%dma_start3A_261, %dma_start3A_262] : memref<128x128xf32, #tpu.memory_space<vmem>> -> memref<128x64xf32, #tpu.memory_space<vmem>>
      tpu.enqueue_dma source(%dma_start3A_263 : memref<128x64xf32, #tpu.memory_space<vmem>>) target(%dma_start3A_260 : memref<128x64xf32, #tpu.memory_space<hbm>>) target_semaphore(%arg20 : memref<!tpu.dma_semaphore, #tpu.memory_space<semaphore_mem>>)
    }
    %scan3A_16 = arith.constant 40 : i32
    %add3A_17 = arith.constant 24960 : i32
    %add3A_18 = arith.addi %mul3A_2, %add3A_17 : i32
    %dma_wait3A = arith.constant 0 : i32
    %dma_wait3A_19 = arith.constant 0 : i32
    %dma_wait3A_20 = tpu.memref_slice %arg6[%dma_wait3A, %dma_wait3A_19] : memref<128x128xf32, #tpu.memory_space<vmem>> -> memref<128x64xf32, #tpu.memory_space<vmem>>
    %dma_wait3A_21 = arith.constant 0 : i32
    %dma_wait3A_22 = tpu.memref_slice %arg4[%add3A_18, %dma_wait3A_21] : memref<819200x128xf32, #tpu.memory_space<hbm>> -> memref<128x64xf32, #tpu.memory_space<hbm>>
    %dma_wait3A_23 = arith.constant 0 : i32
    %dma_wait3A_24 = tpu.memref_slice %arg4[%add3A_18, %dma_wait3A_23] : memref<819200x128xf32, #tpu.memory_space<hbm>> -> memref<128x64xf32, #tpu.memory_space<hbm>>
    %dma_wait3A_25 = arith.constant 0 : i32
    %dma_wait3A_26 = arith.constant 0 : i32
    %dma_wait3A_27 = tpu.memref_slice %arg6[%dma_wait3A_25, %dma_wait3A_26] : memref<128x128xf32, #tpu.memory_space<vmem>> -> memref<128x64xf32, #tpu.memory_space<vmem>>
    tpu.wait_dma2 semaphore(%arg16 : memref<!tpu.dma_semaphore, #tpu.memory_space<semaphore_mem>>) src(%dma_wait3A_27 : memref<128x64xf32, #tpu.memory_space<vmem>>) dst(%dma_wait3A_24 : memref<128x64xf32, #tpu.memory_space<hbm>>)
    %add3A_28 = arith.constant 25088 : i32
    %add3A_29 = arith.addi %mul3A_2, %add3A_28 : i32
    %dma_wait3A_30 = arith.constant 0 : i32
    %dma_wait3A_31 = arith.constant 0 : i32
    %dma_wait3A_32 = tpu.memref_slice %arg7[%dma_wait3A_30, %dma_wait3A_31] : memref<128x128xf32, #tpu.memory_space<vmem>> -> memref<128x64xf32, #tpu.memory_space<vmem>>
    %dma_wait3A_33 = arith.constant 0 : i32
    %dma_wait3A_34 = tpu.memref_slice %arg4[%add3A_29, %dma_wait3A_33] : memref<819200x128xf32, #tpu.memory_space<hbm>> -> memref<128x64xf32, #tpu.memory_space<hbm>>
    %dma_wait3A_35 = arith.constant 0 : i32
    %dma_wait3A_36 = tpu.memref_slice %arg4[%add3A_29, %dma_wait3A_35] : memref<819200x128xf32, #tpu.memory_space<hbm>> -> memref<128x64xf32, #tpu.memory_space<hbm>>
    %dma_wait3A_37 = arith.constant 0 : i32
    %dma_wait3A_38 = arith.constant 0 : i32
    %dma_wait3A_39 = tpu.memref_slice %arg7[%dma_wait3A_37, %dma_wait3A_38] : memref<128x128xf32, #tpu.memory_space<vmem>> -> memref<128x64xf32, #tpu.memory_space<vmem>>
    tpu.wait_dma2 semaphore(%arg17 : memref<!tpu.dma_semaphore, #tpu.memory_space<semaphore_mem>>) src(%dma_wait3A_39 : memref<128x64xf32, #tpu.memory_space<vmem>>) dst(%dma_wait3A_36 : memref<128x64xf32, #tpu.memory_space<hbm>>)
    %add3A_40 = arith.constant 25216 : i32
    %add3A_41 = arith.addi %mul3A_2, %add3A_40 : i32
    %dma_wait3A_42 = arith.constant 0 : i32
    %dma_wait3A_43 = arith.constant 0 : i32
    %dma_wait3A_44 = tpu.memref_slice %arg8[%dma_wait3A_42, %dma_wait3A_43] : memref<128x128xf32, #tpu.memory_space<vmem>> -> memref<128x64xf32, #tpu.memory_space<vmem>>
    %dma_wait3A_45 = arith.constant 0 : i32
    %dma_wait3A_46 = tpu.memref_slice %arg4[%add3A_41, %dma_wait3A_45] : memref<819200x128xf32, #tpu.memory_space<hbm>> -> memref<128x64xf32, #tpu.memory_space<hbm>>
    %dma_wait3A_47 = arith.constant 0 : i32
    %dma_wait3A_48 = tpu.memref_slice %arg4[%add3A_41, %dma_wait3A_47] : memref<819200x128xf32, #tpu.memory_space<hbm>> -> memref<128x64xf32, #tpu.memory_space<hbm>>
    %dma_wait3A_49 = arith.constant 0 : i32
    %dma_wait3A_50 = arith.constant 0 : i32
    %dma_wait3A_51 = tpu.memref_slice %arg8[%dma_wait3A_49, %dma_wait3A_50] : memref<128x128xf32, #tpu.memory_space<vmem>> -> memref<128x64xf32, #tpu.memory_space<vmem>>
    tpu.wait_dma2 semaphore(%arg18 : memref<!tpu.dma_semaphore, #tpu.memory_space<semaphore_mem>>) src(%dma_wait3A_51 : memref<128x64xf32, #tpu.memory_space<vmem>>) dst(%dma_wait3A_48 : memref<128x64xf32, #tpu.memory_space<hbm>>)
    %add3A_52 = arith.constant 25344 : i32
    %add3A_53 = arith.addi %mul3A_2, %add3A_52 : i32
    %dma_wait3A_54 = arith.constant 0 : i32
    %dma_wait3A_55 = arith.constant 0 : i32
    %dma_wait3A_56 = tpu.memref_slice %arg9[%dma_wait3A_54, %dma_wait3A_55] : memref<128x128xf32, #tpu.memory_space<vmem>> -> memref<128x64xf32, #tpu.memory_space<vmem>>
    %dma_wait3A_57 = arith.constant 0 : i32
    %dma_wait3A_58 = tpu.memref_slice %arg4[%add3A_53, %dma_wait3A_57] : memref<819200x128xf32, #tpu.memory_space<hbm>> -> memref<128x64xf32, #tpu.memory_space<hbm>>
    %dma_wait3A_59 = arith.constant 0 : i32
    %dma_wait3A_60 = tpu.memref_slice %arg4[%add3A_53, %dma_wait3A_59] : memref<819200x128xf32, #tpu.memory_space<hbm>> -> memref<128x64xf32, #tpu.memory_space<hbm>>
    %dma_wait3A_61 = arith.constant 0 : i32
    %dma_wait3A_62 = arith.constant 0 : i32
    %dma_wait3A_63 = tpu.memref_slice %arg9[%dma_wait3A_61, %dma_wait3A_62] : memref<128x128xf32, #tpu.memory_space<vmem>> -> memref<128x64xf32, #tpu.memory_space<vmem>>
    tpu.wait_dma2 semaphore(%arg19 : memref<!tpu.dma_semaphore, #tpu.memory_space<semaphore_mem>>) src(%dma_wait3A_63 : memref<128x64xf32, #tpu.memory_space<vmem>>) dst(%dma_wait3A_60 : memref<128x64xf32, #tpu.memory_space<hbm>>)
    %add3A_64 = arith.constant 25472 : i32
    %add3A_65 = arith.addi %mul3A_2, %add3A_64 : i32
    %dma_wait3A_66 = arith.constant 0 : i32
    %dma_wait3A_67 = arith.constant 0 : i32
    %dma_wait3A_68 = tpu.memref_slice %arg10[%dma_wait3A_66, %dma_wait3A_67] : memref<128x128xf32, #tpu.memory_space<vmem>> -> memref<128x64xf32, #tpu.memory_space<vmem>>
    %dma_wait3A_69 = arith.constant 0 : i32
    %dma_wait3A_70 = tpu.memref_slice %arg4[%add3A_65, %dma_wait3A_69] : memref<819200x128xf32, #tpu.memory_space<hbm>> -> memref<128x64xf32, #tpu.memory_space<hbm>>
    %dma_wait3A_71 = arith.constant 0 : i32
    %dma_wait3A_72 = tpu.memref_slice %arg4[%add3A_65, %dma_wait3A_71] : memref<819200x128xf32, #tpu.memory_space<hbm>> -> memref<128x64xf32, #tpu.memory_space<hbm>>
    %dma_wait3A_73 = arith.constant 0 : i32
    %dma_wait3A_74 = arith.constant 0 : i32
    %dma_wait3A_75 = tpu.memref_slice %arg10[%dma_wait3A_73, %dma_wait3A_74] : memref<128x128xf32, #tpu.memory_space<vmem>> -> memref<128x64xf32, #tpu.memory_space<vmem>>
    tpu.wait_dma2 semaphore(%arg20 : memref<!tpu.dma_semaphore, #tpu.memory_space<semaphore_mem>>) src(%dma_wait3A_75 : memref<128x64xf32, #tpu.memory_space<vmem>>) dst(%dma_wait3A_72 : memref<128x64xf32, #tpu.memory_space<hbm>>)
    return
  }
}

</mosaic_0001>

<sc_bundles>
// kernel: _gather_rows.3.cloned.1.call-start
scs
__scs_entry_jumppad:
0x0: {  	(pc) =	sbr.rel $0x88, $3  }
0x1: {  	(tag) =	ssettag $0x0;
	lr =	simm.s32 $0x1  }
0x2: {  	[smem:$0x3F9F] =	sst lr;
	_ =	strace $0xD0000000  }
0x3: {  	_ = 	snop  }
0x4: {  	_ = 	snop  }
0x5: {  	_ = 	snop  }
0x6: {  	_ = 	snop  }
0x7: {  	_ = 	snop  }
__scs_overlays_trampoline_lowered:
0x8: {  	[smem:$0x3FAE] =	sst s0  }
0x9: {  	[smem:$0x3FAF] =	sst s1  }
0xa: {  	[smem:$0x3FB0] =	sst s2  }
0xb: {  	[smem:$0x3FB1] =	sst s3  }
0xc: {  	[smem:$0x3FB2] =	sst s4  }
0xd: {  	[smem:$0x3FB3] =	sst s5  }
0xe: {  	[smem:$0x3FB4] =	sst s6  }
0xf: {  	[smem:$0x3FB5] =	sst s7  }
0x10: {  	[smem:$0x3FB6] =	sst s8  }
0x11: {  	[smem:$0x3FB7] =	sst s9;
	s0 =	simm.s32 @!p0 $0x0  }
0x12: {  	s1 =	sld [smem:$0x3F9D];
	s0 =	simm.s32 @p0 $0x1  }
0x13: {  	[smem:$0x3FB8] =	sst s0;
	s0 =	simm.s32 @!p1 $0x0  }
0x14: {  	s2 =	sld [smem:$0x3F9C];
	s0 =	simm.s32 @p1 $0x1  }
0x15: {  	[smem:$0x3FB9] =	sst s0;
	s0 =	simm.s32 @!p2 $0x0  }
0x16: {  	s3 =	sld [smem:$0x3FDB];
	s0 =	simm.s32 @p2 $0x1  }
0x17: {  	s4 =	simm.s32 $0x1BF5;
	[smem:$0x3FBB] =	sst s0  }
0x18: {  	s0 =	sld [smem:$0x3F9E];
	_ =	swait.ge [sflag:s4], $0x0  }
0x19: {  	s7 =	sld [smem:$0x3F9F]  }
0x1a: {  	s8 =	sadd.s32 $0xFFFFE003, lr  }
0x1b: {  	s9 =	sadd.s32 $0xFFFFFEF7, lr;
	s5 =	simm.s32 $0xFFFFFFFF;
	p2 =	slt.u32 s8, $0xFFFFF086  }
0x1c: {  	p1 =	slt.u32 s9, $0xF7A;
	s5 =	simm.s32 @!p2 $0x0  }
0x1d: {  	s5 =	simm.s32 @p1 $0x1;
	p0 =	seq.s32 s7, s2  }
0x1e: {  	s7 =	smul.u32 @!p0 $0xF7A, s2;
	p2 =	seq.s32 @!p0 s5, $0x0  }
0x1f: {  	s9 =	smul.u32 $0xF7A, s1;
	s8 =	simm.s32 @!p0 $0x1BF5;
	p2 =	por !p2, p0  }
0x20: {  	[sflag:s8] =	ssyncset.s32 @!p0 $0xFFFFF086;
	s6 =	sadd.s32 @!p0 s3, s7;
	s7 =	simm.s32 @!p0 $0x108  }
0x21: {  	s3 =	sadd.s32 s3, s9;
	s6 =	sadd.s32 @!p0 $0x88, s6;
	s7 =	simm.s32 @p2 $0x1082  }
0x22: {  	[simem:s7], [sflag:s8] =	dma.local @!p0 [hbm:s6], $0xF7A  }
0x23: {  	s9 =	sor.u32 $0xD0000000, s2;
	s6 =	simm.s32 $0x108;
	_ =	swait.ge @!p0 [sflag:s8], $0x0  }
0x24: {  	s3 =	sadd.s32 $0x88, s3;
	s6 =	simm.s32 @!p1 $0x1082;
	[sflag:s4] =	ssyncset.s32 $0xFFFFF086  }
0x25: {  	[simem:s6], [sflag:s4] =	dma.local [hbm:s3], $0xF7A  }
0x26: {  	[smem:$0x3F9F] =	sst s1;
	(tag) =	ssettag s2;
	_ =	strace s9  }
0x27: {  	s1 =	sld [smem:$0x3FAF]  }
0x28: {  	s2 =	sld [smem:$0x3FB0]  }
0x29: {  	s4 =	sld [smem:$0x3FB2]  }
0x2a: {  	p0 =	seq.s32 s5, $0x0;
	s5 =	sld [smem:$0x3FB3]  }
0x2b: {  	s6 =	sld [smem:$0x3FB4]  }
0x2c: {  	s7 =	sld [smem:$0x3FB5]  }
0x2d: {  	s3 =	simm.s32 $0x108;
	s8 =	sld [smem:$0x3FB6]  }
0x2e: {  	s3 =	simm.s32 @!p0 $0x1082;
	s9 =	sld [smem:$0x3FB7]  }
0x2f: {  	lr =	sadd.s32 s0, s3;
	s0 =	sld [smem:$0x3FAE]  }
0x30: {  	s3 =	sld [smem:$0x3FB1]  }
0x31: {  	[smem:$0x3FBA] =	sst s10  }
0x32: {  	s10 =	sld [smem:$0x3FB8];
	_ =	sdelay $0x3  }
0x33: {  	p0 =	seq.s32 s10, $0x1;
	s10 =	sld [smem:$0x3FBA];
	_ =	sdelay $0x3  }
0x34: {  	[smem:$0x3FBA] =	sst s10  }
0x35: {  	s10 =	sld [smem:$0x3FB9];
	_ =	sdelay $0x3  }
0x36: {  	p1 =	seq.s32 s10, $0x1;
	s10 =	sld [smem:$0x3FBA];
	_ =	sdelay $0x3  }
0x37: {  	[smem:$0x3FBA] =	sst s10  }
0x38: {  	s10 =	sld [smem:$0x3FBB]  }
0x39: {  	_ = 	snop;
	(pc) =	sbr.ind lr, $3  }
0x3a: {  	_ = 	snop  }
0x3b: {  	_ = 	snop  }
0x3c: {  	p2 =	seq.s32 s10, $0x1;
	s10 =	sld [smem:$0x3FBA]  }
0x3d: {  	_ =	shalt  }
0x3e: {  	_ =	shalt  }
0x3f: {  	_ =	shalt  }
0x40: {  	_ =	shalt  }
0x41: {  	_ =	shalt  }
0x42: {  	_ =	shalt  }
0x43: {  	_ =	shalt  }
0x44: {  	_ =	shalt  }
0x45: {  	_ =	shalt  }
0x46: {  	_ =	shalt  }
0x47: {  	_ =	shalt  }
0x48: {  	_ =	shalt  }
0x49: {  	_ =	shalt  }
0x4a: {  	_ =	shalt  }
0x4b: {  	_ =	shalt  }
0x4c: {  	_ =	shalt  }
0x4d: {  	_ =	shalt  }
0x4e: {  	_ =	shalt  }
0x4f: {  	_ =	shalt  }
0x50: {  	_ =	shalt  }
0x51: {  	_ =	shalt  }
0x52: {  	_ =	shalt  }
0x53: {  	_ =	shalt  }
0x54: {  	_ =	shalt  }
0x55: {  	_ =	shalt  }
0x56: {  	_ =	shalt  }
0x57: {  	_ =	shalt  }
0x58: {  	_ =	shalt  }
0x59: {  	_ =	shalt  }
0x5a: {  	_ =	shalt  }
0x5b: {  	_ =	shalt  }
0x5c: {  	_ =	shalt  }
0x5d: {  	_ =	shalt  }
0x5e: {  	_ =	shalt  }
0x5f: {  	_ =	shalt  }
0x60: {  	_ =	shalt  }
0x61: {  	_ =	shalt  }
0x62: {  	_ =	shalt  }
0x63: {  	_ =	shalt  }
0x64: {  	_ =	shalt  }
0x65: {  	_ =	shalt  }
0x66: {  	_ =	shalt  }
0x67: {  	_ =	shalt  }
0x68: {  	_ =	shalt  }
0x69: {  	_ =	shalt  }
0x6a: {  	_ =	shalt  }
0x6b: {  	_ =	shalt  }
0x6c: {  	_ =	shalt  }
0x6d: {  	_ =	shalt  }
0x6e: {  	_ =	shalt  }
0x6f: {  	_ =	shalt  }
0x70: {  	_ =	shalt  }
0x71: {  	_ =	shalt  }
0x72: {  	_ =	shalt  }
0x73: {  	_ =	shalt  }
0x74: {  	_ =	shalt  }
0x75: {  	_ =	shalt  }
0x76: {  	_ =	shalt  }
0x77: {  	_ =	shalt  }
0x78: {  	_ =	shalt  }
0x79: {  	_ =	shalt  }
0x7a: {  	_ =	shalt  }
0x7b: {  	_ =	shalt  }
0x7c: {  	_ =	shalt  }
0x7d: {  	_ =	shalt  }
0x7e: {  	_ =	shalt  }
0x7f: {  	_ =	shalt  }
0x80: {  	_ =	shalt  }
0x81: {  	_ =	shalt  }
0x82: {  	_ =	shalt  }
0x83: {  	_ =	shalt  }
0x84: {  	_ =	shalt  }
0x85: {  	_ =	shalt  }
0x86: {  	_ =	shalt  }
0x87: {  	_ =	shalt  }
.Lfunc_end0:
.L_simem_size_0:
called_computation_lowered:
.L_overlay_start_0:
0x88: {  	s2 =	sld [smem:$0x3FD9]  }
0x89: {  	s3 =	sld [smem:$0x3FFE];
	_ =	sdelay $0x1  }
0x8a: {  	s1 =	srdreg.scid  }
0x8b: {  	s0 =	sand.u32 $0x1, s1  }
0x8c: {  	s18 =	sshll.u32 s0, $0xA;
	s2 =	sadd.s32 s3, s2  }
0x8d: {  	s2 =	sadd.s32 s2, s18  }
0x8e: {  	[smem:$0x3FC6] =	sst s2  }
0x8f: {  	_ = 	snop  }
0x90: {  	s2 =	sld [smem:$0x3FC9]  }
0x91: {  	s19 =	sld [smem:$0x3FC8]  }
0x92: {  	s4 =	sld [smem:$0x3FD0];
	(tm) =	ssettm $0x1  }
0x93: {  	s5 =	sld [smem:$0x3FFB];
	_ =	sdelay $0x3  }
0x94: {  	_ =	strace s5  }
0x95: {  	s5 =	sld [smem:$0x3FFC];
	_ =	sdelay $0x3  }
0x96: {  	_ =	strace s5  }
0x97: {  	s5 =	sld [smem:$0x3FFD];
	_ =	sdelay $0x3  }
0x98: {  	_ =	strace s5  }
0x99: {  	_ =	strace $0x8FFFFFFF  }
0x9a: {  	s20 =	sld [smem:$0x3FDB];
	_ =	sdelay $0x1  }
0x9b: {  	s6 =	simm.s32 $_scs_section_size  }
0x9c: {  	s7 =	simm.s32 $_size__tile_overlayer_lowered;
	s8 =	simm.s32 $_tile_overlayer_lowered  }
0x9d: {  	s23 =	simm.s32 $0x1BFF;
	s22 =	sshll.u32 s8, $0x1;
	s5 =	sadd.s32 s6, s20  }
0x9e: {  	s9 =	simm.s32 $0x0;
	s21 =	sshll.u32 s7, $0x1;
	s7 =	sadd.s32 s22, s5  }
0x9f: {  	[timem:s9], [sflag:s23] =	dma.local [hbm:s7], s21  }
0xa0: {  	_ =	swait.ge [sflag:s23], s21  }
0xa1: {  	s6 =	ssub.s32 $0x0, s21;
	[sflag:s23] =	ssyncset.done $0x0  }
0xa2: {  	[sflag:s23] =	ssyncadd.s32 s6;
	_ =	sdelay $0x1  }
0xa3: {  	s24 =	simm.s32 $0x1B8B  }
0xa4: {  	_ =	swait.ge [sflag:s24], $0x1  }
0xa5: {  	[sflag:s24] =	ssyncset.done $0x0  }
0xa6: {  	s25 =	simm.s32 $0x1B8E;
	[sflag:s24] =	ssyncadd.s32 $0xFFFFFFFF  }
0xa7: {  	s26 =	simm.s32 $execute0_lowered;
	[smem:$0x3FD2] =	sst s25  }
0xa8: {  	s6 =	sshll.u32 s26, $0x1;
	_ =	strace $0x80000046;
	[dreg:$0x1] =	wrdreg $0xFFFFFFFF  }
0xa9: {  	s28 =	simm.s32 $_size_execute0_lowered;
	s5 =	sadd.s32 s5, s6;
	[dreg:$0x0] =	wrdreg $0x0  }
0xaa: {  	s6 =	sshll.u32 s28, $0x1;
	[dreg:$0x2] =	wrdreg s5  }
0xab: {  	[dreg:$0x3] =	wrdreg s6  }
0xac: {  	[dreg:$0x4] =	wrdreg $0xC0  }
0xad: {  	_ =	task [dreg:s9], $0x5FFFF  }
0xae: {  	[dreg:$0x1] =	wrdreg $0xFFFFFFFF  }
0xaf: {  	[dreg:$0x0] =	wrdreg $0x60  }
0xb0: {  	[dreg:$0x2] =	wrdreg s19  }
0xb1: {  	[dreg:$0x3] =	wrdreg s2  }
0xb2: {  	[dreg:$0x4] =	wrdreg s4  }
0xb3: {  	[dreg:$0x5] =	wrdreg $0x9  }
0xb4: {  	_ =	task.clear_ibuf [dreg:s9], $0x6FFFF;
	_ =	strace $0x90000046  }
0xb5: {  	s29 =	simm.s32 $0x9;
	_ =	strace $0x80000048  }
0xb6: {  	_ =	swait.ge [sflag:s29], $0x1  }
0xb7: {  	[sflag:s29] =	ssyncadd.s32 $0xFFFFFFFF  }
0xb8: {  	_ =	strace $0x90000048  }
0xb9: {  	_ =	sfence  }
0xba: {  	s30 =	sld [smem:$0x0];
	_ =	sdelay $0x2  }
0xbb: {  	s31 =	sshll.u32 s1, $0xD;
	s1 =	sshrl.u32 s1, $0x2  }
0xbc: {  	s3 =	sand.u32 $0x4000, s31;
	s1 =	sadd.s32 s1, s30  }
0xbd: {  	s0 =	sor.u32 s3, s0;
	s1 =	sshll.u32 s1, $0x11  }
0xbe: {  	s0 =	sor.u32 s1, s0  }
0xbf: {  	s0 =	sadd.s32 $0x8F2B, s0  }
0xc0: {  	[sflag:s0] =	ssyncadd.remote.s32 $0x1  }
0xc1: {  	_ =	sfence.sel $0xFFFF  }
0xc2: {  	[dreg:$0x0] =	wrdreg $0xFFFFFFFF;
	(pc) =	sbr.abs _section_cstart, $3  }
0xc3: {  	[dreg:$0x1] =	wrdreg $0xFFFFFFFF  }
0xc4: {  	_ =	task.clear_ibuf [dreg:s9], $0x2FFFF;
	_ =	strace $0x9FFFFFFF  }
0xc5: {  	(tm) =	ssettm $0x7FFFFFFF  }
tec
execute0_lowered:
.L_overlay_start_1:
0x0: {  	(tag) =	ssettag $0x1  }
0x1: {  	s1 =	rddreg [dreg:$0x0]  }
0x2: {  	s0 =	rddreg [dreg:$0x1];
	s2 =	srdreg.scid  }
0x3: {  	s4 =	stileid.u32;
	s3 =	rddreg [dreg:$0x2]  }
0x4: {  	s10 =	simm.s32 $0xB;
	s11 =	simm.s32 $0x80;
	s14 =	simm.s32 $0xE400  }
0x5: {  	s15 =	simm.s32 $0x1;
	s16 =	simm.s32 $0x12400;
	s17 =	simm.s32 $0x2  }
0x6: {  	s18 =	simm.s32 $0x16400;
	s19 =	simm.s32 $0x3;
	s20 =	simm.s32 $0x4  }
0x7: {  	s21 =	simm.s32 $0x5;
	s22 =	simm.s32 $0x6;
	s23 =	simm.s32 $0x7  }
0x8: {  	s24 =	simm.s32 $0x8;
	s2 =	sand.u32 $0x1, s2;
	s4 =	sshll.u32 s4, $0x1  }
0x9: {  	s25 =	simm.s32 $0x9;
	s6 =	sor.u32 s2, s4;
	s2 =	ssub.s32 $0x2, s2  }
0xa: {  	s4 =	simm.s32 $0x0;
	s5 =	smul.u32 $0x6400, s6;
	s7 =	sshrl.u32 s2, $0x1  }
0xb: {  	s26 =	simm.s32 $0xA;
	[smem:$0x7FF] =	sst s4;
	s2 =	ssub.s32 s2, s7  }
0xc: {  	s6 =	smul.u32 $0x320000, s6;
	s30 =	sshrl.u32 s5, $0x3;
	s31 =	smax.u32 s2, $0x1  }
0xd: {  	_ =	strace $0x80000047;
	s0 =	sadd.s32 s0, s30;
	[dreg:$0x5] =	wrdreg s31  }
0xe: {  	s28 =	simm.s32 $0x0;
	s8 =	sor.u32 $0x4000, s6;
	[dreg:$0x4] =	wrdreg s0  }
.LBB2_1:
0xf: {  	s0 =	rddreg [dreg:$0x4]  }
0x10: {  	[tilespmem:s4], [sflag:$0xB] =	stream.linear.gather [hbm4b:s0+s4], $0x6400, $0x38;
	[tilespmem:$0x1A400] =	vst v63  }
0x11: {  	_ =	swait.ge [sflag:s10], $0x6400  }
0x12: {  	[sflag:s10] =	ssyncset.done $0x0  }
0x13: {  	s30 =	simm.s32 $0x6400;
	[sflag:s10] =	ssyncadd.s32 $0xFFFF9C00  }
0x14: {  	[tilespmem:s30], [sflag:$0x1] =	stream.indirect.gather [hbm4b:s1+s11], $0x80, s4, s11, $0xb8;
	[tilespmem:$0x1A400] =	vst v63  }
0x15: {  	s31 =	simm.s32 $0xA400;
	s29 =	simm.s32 $0x0  }
0x16: {  	[tilespmem:s31], [sflag:$0x2] =	stream.indirect.gather [hbm4b:s1+s11], $0x80, s11, s11, $0xb8;
	[tilespmem:$0x1A400] =	vst v63  }
.LBB2_2:
0x17: {  	s31 =	smul.u32 $0x5, s29;
	p0 =	seq.s32 s29, $0x0  }
0x18: {  	s0 =	simm.s32 @!p0 $0x8  }
0x19: {  	s12 =	smul.u32 $0x280, s29;
	s2 =	sadd.s32 $0x2, s31;
	_ =	swait.ge @!p0 [sflag:s0], $0x2000  }
0x1a: {  	[sflag:s0] =	ssyncset.done @!p0 $0x0;
	s7 =	sshll.u32 s2, $0x7  }
0x1b: {  	s13 =	sadd.s32 s5, s12;
	[sflag:s0] =	ssyncadd.s32 @!p0 $0xFFFFE000;
	s9 =	sand.u32 $0x3FFFFF80, s7  }
0x1c: {  	[tilespmem:s14], [sflag:$0x3] =	stream.indirect.gather [hbm4b:s1+s11], $0x80, s9, s11, $0xb8;
	[tilespmem:$0x1A400] =	vst v63  }
0x1d: {  	s12 =	simm.s32 $0x10;
	s0 =	sshll.u32 s13, $0x4;
	_ =	swait.ge [sflag:s15], $0x4000  }
0x1e: {  	s13 =	simm.s32 $0x6480;
	s30 =	sadd.s32 s3, s0;
	[sflag:s15] =	ssyncset.done $0x0  }
0x1f: {  	s0 =	simm.s32 $0x6400;
	s7 =	sadd.s32 $0x0, s30;
	[sflag:s15] =	ssyncadd.s32 $0xFFFFC000  }
.LBB2_3:
0x20: {  	[hbm4b:s7+s4] =	stream.linear.scatter [tilespmem:s0], [sflag:$0x6], $0x40, $0x38;
	[tilespmem:$0x1A400] =	vst v63  }
0x21: {  	s7 =	smov.u32 s12;
	s0 =	smov.u32 s13;
	p1 =	sne.s32 s12, $0x7F0  }
.Ltmp0:
0x22: {  	s12 =	sadd.s32 $0x10, s12;
	(pc) =	sbr.rel @p1 .LBB2_3-.Ltmp0, $2  }
0x23: {  	_ =	sdelay $0x2  }
0x24: {  	s13 =	sadd.s32 $0x80, s13;
	s7 =	sadd.s32 s7, s30  }
0x25: {  	[hbm4b:s7+s4] =	stream.linear.scatter [tilespmem:s0], [sflag:$0x6], $0x40, $0x38;
	[tilespmem:$0x1A400] =	vst v63  }
0x26: {  	s0 =	simm.s32 @!p0 $0x9  }
0x27: {  	s30 =	sadd.s32 $0x3, s31;
	s12 =	smul.u32 $0x14000, s29;
	_ =	swait.ge @!p0 [sflag:s0], $0x2000  }
0x28: {  	s13 =	sshll.u32 s30, $0x7;
	[sflag:s0] =	ssyncset.done @!p0 $0x0  }
0x29: {  	s9 =	sand.u32 $0x3FFFFF80, s13;
	s13 =	sadd.s32 s12, s8;
	[sflag:s0] =	ssyncadd.s32 @!p0 $0xFFFFE000  }
0x2a: {  	[tilespmem:s16], [sflag:$0x4] =	stream.indirect.gather [hbm4b:s1+s11], $0x80, s9, s11, $0xb8;
	[tilespmem:$0x1A400] =	vst v63  }
0x2b: {  	s7 =	simm.s32 $0xA480;
	s0 =	sshrl.u32 s13, $0x3;
	_ =	swait.ge [sflag:s17], $0x4000  }
0x2c: {  	s12 =	simm.s32 $0xA400;
	s0 =	sadd.s32 s3, s0;
	[sflag:s17] =	ssyncset.done $0x0  }
0x2d: {  	s13 =	simm.s32 $0x10;
	s9 =	sadd.s32 $0x0, s0;
	[sflag:s17] =	ssyncadd.s32 $0xFFFFC000  }
.LBB2_5:
0x2e: {  	[hbm4b:s9+s4] =	stream.linear.scatter [tilespmem:s12], [sflag:$0x7], $0x40, $0x38;
	[tilespmem:$0x1A400] =	vst v63  }
0x2f: {  	s9 =	smov.u32 s13;
	s12 =	smov.u32 s7;
	p1 =	sne.s32 s13, $0x7F0  }
.Ltmp1:
0x30: {  	s13 =	sadd.s32 $0x10, s13;
	(pc) =	sbr.rel @p1 .LBB2_5-.Ltmp1, $2  }
0x31: {  	_ =	sdelay $0x2  }
0x32: {  	s7 =	sadd.s32 $0x80, s7;
	s9 =	sadd.s32 s9, s0  }
0x33: {  	[hbm4b:s9+s4] =	stream.linear.scatter [tilespmem:s12], [sflag:$0x7], $0x40, $0x38;
	[tilespmem:$0x1A400] =	vst v63  }
0x34: {  	s0 =	simm.s32 @!p0 $0xA  }
0x35: {  	s31 =	sadd.s32 $0x4, s31;
	_ =	swait.ge @!p0 [sflag:s0], $0x2000  }
0x36: {  	s13 =	sshll.u32 s2, $0xE;
	s7 =	sshll.u32 s31, $0x7;
	[sflag:s0] =	ssyncset.done @!p0 $0x0  }
0x37: {  	s12 =	sand.u32 $0x3FFFFF80, s7;
	[sflag:s0] =	ssyncadd.s32 @!p0 $0xFFFFE000;
	s0 =	sadd.s32 s6, s13  }
0x38: {  	[tilespmem:s18], [sflag:$0x5] =	stream.indirect.gather [hbm4b:s1+s11], $0x80, s12, s11, $0xb8;
	[tilespmem:$0x1A400] =	vst v63  }
0x39: {  	s2 =	simm.s32 $0xE400;
	s0 =	sshrl.u32 s0, $0x3;
	_ =	swait.ge [sflag:s19], $0x4000  }
0x3a: {  	s7 =	simm.s32 $0xE480;
	s0 =	sadd.s32 s3, s0;
	[sflag:s19] =	ssyncset.done $0x0  }
0x3b: {  	s12 =	simm.s32 $0x10;
	s9 =	sadd.s32 $0x0, s0;
	[sflag:s19] =	ssyncadd.s32 $0xFFFFC000  }
.LBB2_7:
0x3c: {  	[hbm4b:s9+s4] =	stream.linear.scatter [tilespmem:s2], [sflag:$0x8], $0x40, $0x38;
	[tilespmem:$0x1A400] =	vst v63  }
0x3d: {  	s9 =	smov.u32 s12;
	s2 =	smov.u32 s7;
	p0 =	sne.s32 s12, $0x7F0  }
.Ltmp2:
0x3e: {  	s12 =	sadd.s32 $0x10, s12;
	(pc) =	sbr.rel @p0 .LBB2_7-.Ltmp2, $2  }
0x3f: {  	_ =	sdelay $0x2  }
0x40: {  	s7 =	sadd.s32 $0x80, s7;
	s9 =	sadd.s32 s9, s0  }
0x41: {  	[hbm4b:s9+s4] =	stream.linear.scatter [tilespmem:s2], [sflag:$0x8], $0x40, $0x38;
	[tilespmem:$0x1A400] =	vst v63  }
0x42: {  	p0 =	seq.s32 s29, $0x27  }
0x43: {  	s0 =	simm.s32 @!p0 $0x6;
	s2 =	smul.u32 @!p0 $0xA00, s29  }
0x44: {  	s30 =	sshll.u32 s30, $0xE;
	_ =	swait.ge @!p0 [sflag:s0], $0x2000  }
0x45: {  	s7 =	simm.s32 @!p0 $0x80;
	[sflag:s0] =	ssyncset.done @!p0 $0x0;
	s2 =	sshra.s32 @!p0 s2, $0x2  }
0x46: {  	s9 =	simm.s32 @!p0 $0x6400;
	[sflag:s0] =	ssyncadd.s32 @!p0 $0xFFFFE000;
	s0 =	sadd.s32 @!p0 $0x280, s2  }
0x47: {  	[tilespmem:s9], [sflag:$0x1] =	stream.indirect.gather @!p0 [hbm4b:s1+s7], $0x80, s0, s7, $0xb8;
	[tilespmem:$0x1A400] =	vst v63  }
0x48: {  	s0 =	sadd.s32 s6, s30  }
0x49: {  	s12 =	simm.s32 $0x12400;
	_ =	swait.ge [sflag:s20], $0x4000;
	s0 =	sshrl.u32 s0, $0x3  }
0x4a: {  	s13 =	simm.s32 $0x10;
	[sflag:s20] =	ssyncset.done $0x0;
	s0 =	sadd.s32 s3, s0  }
0x4b: {  	s7 =	simm.s32 $0x12480;
	[sflag:s20] =	ssyncadd.s32 $0xFFFFC000;
	s9 =	sadd.s32 $0x0, s0  }
.LBB2_9:
0x4c: {  	[hbm4b:s9+s4] =	stream.linear.scatter [tilespmem:s12], [sflag:$0x9], $0x40, $0x38;
	[tilespmem:$0x1A400] =	vst v63  }
0x4d: {  	s9 =	smov.u32 s13;
	s12 =	smov.u32 s7;
	p1 =	sne.s32 s13, $0x7F0  }
.Ltmp3:
0x4e: {  	s13 =	sadd.s32 $0x10, s13;
	(pc) =	sbr.rel @p1 .LBB2_9-.Ltmp3, $2  }
0x4f: {  	_ =	sdelay $0x2  }
0x50: {  	s7 =	sadd.s32 $0x80, s7;
	s9 =	sadd.s32 s9, s0  }
0x51: {  	[hbm4b:s9+s4] =	stream.linear.scatter [tilespmem:s12], [sflag:$0x9], $0x40, $0x38;
	[tilespmem:$0x1A400] =	vst v63  }
0x52: {  	s0 =	simm.s32 @!p0 $0x7  }
0x53: {  	_ =	swait.ge @!p0 [sflag:s0], $0x2000  }
0x54: {  	s7 =	simm.s32 @!p0 $0xA400;
	s31 =	sshll.u32 s31, $0xE;
	[sflag:s0] =	ssyncset.done @!p0 $0x0  }
0x55: {  	[sflag:s0] =	ssyncadd.s32 @!p0 $0xFFFFE000;
	s0 =	sadd.s32 @!p0 $0x300, s2;
	s2 =	simm.s32 @!p0 $0x80  }
0x56: {  	[tilespmem:s7], [sflag:$0x2] =	stream.indirect.gather @!p0 [hbm4b:s1+s2], $0x80, s0, s2, $0xb8;
	[tilespmem:$0x1A400] =	vst v63  }
0x57: {  	s0 =	sadd.s32 s6, s31  }
0x58: {  	s12 =	simm.s32 $0x10;
	_ =	swait.ge [sflag:s21], $0x4000;
	s0 =	sshrl.u32 s0, $0x3  }
0x59: {  	s2 =	simm.s32 $0x16400;
	[sflag:s21] =	ssyncset.done $0x0;
	s0 =	sadd.s32 s3, s0  }
0x5a: {  	s7 =	simm.s32 $0x16480;
	[sflag:s21] =	ssyncadd.s32 $0xFFFFC000;
	s9 =	sadd.s32 $0x0, s0  }
.LBB2_11:
0x5b: {  	[hbm4b:s9+s4] =	stream.linear.scatter [tilespmem:s2], [sflag:$0xA], $0x40, $0x38;
	[tilespmem:$0x1A400] =	vst v63  }
0x5c: {  	s9 =	smov.u32 s12;
	s2 =	smov.u32 s7;
	p0 =	sne.s32 s12, $0x7F0  }
.Ltmp4:
0x5d: {  	s12 =	sadd.s32 $0x10, s12;
	(pc) =	sbr.rel @p0 .LBB2_11-.Ltmp4, $2  }
0x5e: {  	_ =	sdelay $0x2  }
0x5f: {  	s7 =	sadd.s32 $0x80, s7;
	s9 =	sadd.s32 s9, s0  }
0x60: {  	s29 =	sadd.s32 $0x1, s29  }
0x61: {  	p0 =	sne.s32 s29, $0x28  }
.Ltmp5:
0x62: {  	_ = 	snop;
	(pc) =	sbr.rel @p0 .LBB2_2-.Ltmp5, $2  }
0x63: {  	_ =	sdelay $0x2  }
0x64: {  	[hbm4b:s9+s4] =	stream.linear.scatter [tilespmem:s2], [sflag:$0xA], $0x40, $0x38;
	[tilespmem:$0x1A400] =	vst v63  }
0x65: {  	_ =	swait.ge [sflag:s22], $0x2000  }
0x66: {  	[sflag:s22] =	ssyncset.done $0x0  }
0x67: {  	[sflag:s22] =	ssyncadd.s32 $0xFFFFE000  }
0x68: {  	_ =	swait.ge [sflag:s23], $0x2000  }
0x69: {  	[sflag:s23] =	ssyncset.done $0x0  }
0x6a: {  	[sflag:s23] =	ssyncadd.s32 $0xFFFFE000  }
0x6b: {  	_ =	swait.ge [sflag:s24], $0x2000  }
0x6c: {  	[sflag:s24] =	ssyncset.done $0x0  }
0x6d: {  	[sflag:s24] =	ssyncadd.s32 $0xFFFFE000  }
0x6e: {  	_ =	swait.ge [sflag:s25], $0x2000  }
0x6f: {  	[sflag:s25] =	ssyncset.done $0x0  }
0x70: {  	[sflag:s25] =	ssyncadd.s32 $0xFFFFE000  }
0x71: {  	_ =	swait.ge [sflag:s26], $0x2000  }
0x72: {  	s28 =	sadd.s32 $0x1, s28;
	s0 =	rddreg [dreg:$0x5]  }
0x73: {  	p0 =	sne.s32 s28, s0  }
.Ltmp6:
0x74: {  	_ = 	snop;
	(pc) =	sbr.rel @p0 .LBB2_1-.Ltmp6, $3  }
0x75: {  	_ =	sdelay $0x1  }
0x76: {  	[sflag:s26] =	ssyncset.done $0x0  }
0x77: {  	[sflag:s26] =	ssyncadd.s32 $0xFFFFE000  }
0x78: {  	_ =	sfence.sel $0x180000  }
0x79: {  	[bflag:$0x0] =	sbarrier.arrive $0xFFFF  }
0x7a: {  	_ =	strace $0x90000047  }
0x7b: {  	s0 =	stileid.u32;
	[bflag:$0x2] =	sbarrier.arrive $0xFFFF  }
0x7c: {  	p0 =	sne.s32 s0, $0x0;
	s0 =	rddreg [dreg:$0x3]  }
0x7d: {  	s0 =	sadd.s32 @!p0 $0x100000, s0  }
0x7e: {  	[sflag:s0] =	ssyncadd.tile.s32 @!p0 $0x1;
	_ =	shalt  }
.Lfunc_end2:
_tile_overlayer_lowered:
.L_overlay_start_2:
0x7f: {  	(tag) =	ssettag $0x2  }
0x80: {  	s0 =	rddreg [dreg:$0x0];
	s2 =	stileid.u32  }
0x81: {  	s1 =	rddreg [dreg:$0x1];
	p0 =	sne.s32 s2, $0x0  }
0x82: {  	s3 =	rddreg [dreg:$0x2];
	[bflag:$0x3] =	sbarrier.arrive $0xFFFF;
	s2 =	simm.s32 @!p0 $0x1C0B  }
0x83: {  	[timem:s3], [sflag:s2] =	dma.local @!p0 [hbm:s0], s1  }
0x84: {  	s0 =	simm.s32 @!p0 $0xB  }
0x85: {  	_ =	swait.ge @!p0 [sflag:s0], s1  }
0x86: {  	s1 =	ssub.s32 @!p0 $0x0, s1;
	[sflag:s0] =	ssyncset.done @!p0 $0x0  }
0x87: {  	[sflag:s0] =	ssyncadd.s32 @!p0 s1  }
0x88: {  	[bflag:$0x3] =	sbarrier.arrive $0xFFFF  }
0x89: {  	_ =	shalt  }

</sc_bundles>
